<compile_context>
chip_gen: v7x
topology: tpu7x:2x2x1
jax: 0.10.2.dev20260603
libtpu: 0.0.44.dev20260713+nightly
codegen_flags: <defaults>
</compile_context>

<pallas_src>
import jax
import jax.numpy as jnp
from jax import lax
from jax.experimental import pallas as pl
from jax.experimental.pallas import tpu as pltpu
from jax.experimental.pallas import tpu_sc as plsc

ENTITY_DIM2 = 256
RELATION_DIM = 128
IN_DIM = ENTITY_DIM2 + RELATION_DIM
HIDDEN = 512
BATCH = 4096

_info = plsc.get_sparse_core_info()
_NC, _NS = _info.num_cores, _info.num_subcores
_NW = _NC * _NS
_BPW = BATCH // _NW
_HALF = _BPW // 2


def _gather_body(eids_hbm, pids_hbm, etab_hbm, rtab_hbm, emb_hbm, rel_hbm,
                 eidx_v, erows_v, pidx_v, prows_v, gsem_e0, gsem_e1, gsem_r,
                 wsem_e0, wsem_e1, wsem_r):
    wid = lax.axis_index("s") * _NC + lax.axis_index("c")
    base = wid * _BPW
    pltpu.sync_copy(eids_hbm.at[pl.ds(base, _BPW)], eidx_v)
    pltpu.sync_copy(pids_hbm.at[pl.ds(base, _BPW)], pidx_v)
    ge0 = pltpu.async_copy(etab_hbm.at[eidx_v.at[pl.ds(0, _HALF)]],
                           erows_v.at[pl.ds(0, _HALF)], gsem_e0)
    ge1 = pltpu.async_copy(etab_hbm.at[eidx_v.at[pl.ds(_HALF, _HALF)]],
                           erows_v.at[pl.ds(_HALF, _HALF)], gsem_e1)
    gr = pltpu.async_copy(rtab_hbm.at[pidx_v], prows_v, gsem_r)
    ge0.wait()
    we0 = pltpu.async_copy(erows_v.at[pl.ds(0, _HALF)],
                           emb_hbm.at[pl.ds(base, _HALF)], wsem_e0)
    gr.wait()
    wr = pltpu.async_copy(prows_v, rel_hbm.at[pl.ds(base, _BPW)], wsem_r)
    ge1.wait()
    we1 = pltpu.async_copy(erows_v.at[pl.ds(_HALF, _HALF)],
                           emb_hbm.at[pl.ds(base + _HALF, _HALF)], wsem_e1)
    we0.wait()
    wr.wait()
    we1.wait()


_sc_gather = pl.kernel(
    _gather_body,
    out_type=(
        jax.ShapeDtypeStruct((BATCH, ENTITY_DIM2), jnp.float32),
        jax.ShapeDtypeStruct((BATCH, RELATION_DIM), jnp.float32),
    ),
    mesh=plsc.VectorSubcoreMesh(core_axis_name="c", subcore_axis_name="s"),
    scratch_types=[
        pltpu.VMEM((_BPW,), jnp.int32),
        pltpu.VMEM((_BPW, ENTITY_DIM2), jnp.float32),
        pltpu.VMEM((_BPW,), jnp.int32),
        pltpu.VMEM((_BPW, RELATION_DIM), jnp.float32),
        pltpu.SemaphoreType.DMA,
        pltpu.SemaphoreType.DMA,
        pltpu.SemaphoreType.DMA,
        pltpu.SemaphoreType.DMA,
        pltpu.SemaphoreType.DMA,
        pltpu.SemaphoreType.DMA,
    ],
)

_BM = 2048


def _mlp_body(emb_ref, rel_ref, W1_ref, b1_ref, W2_ref, b2_ref, W0_ref,
              b0_ref, out_ref):
    bf = jnp.bfloat16
    mm = lambda a, b: jnp.dot(a, b, preferred_element_type=jnp.float32)
    e = jnp.clip(emb_ref[...] + 1.0, 0.05, 1.0e9).astype(bf)
    r = rel_ref[...].astype(bf)
    W1 = W1_ref[...]
    h = (mm(e, W1[:ENTITY_DIM2]) + mm(r, W1[ENTITY_DIM2:])
         + b1_ref[...][None, :])
    h = jnp.maximum(h, 0.0).astype(bf)
    h = mm(h, W2_ref[...]) + b2_ref[...][None, :]
    h = jnp.maximum(h, 0.0).astype(bf)
    o = mm(h, W0_ref[...]) + b0_ref[...][None, :]
    out_ref[...] = jnp.clip(o + 1.0, 0.05, 1.0e9)


def kernel(entity_ids, proj_ids, entity_table, relation_table,
           W1, b1, W2, b2, W0, b0):
    emb, rel = _sc_gather(entity_ids, proj_ids, entity_table, relation_table)
    bf = jnp.bfloat16
    return pl.pallas_call(
        _mlp_body,
        grid=(BATCH // _BM,),
        in_specs=[
            pl.BlockSpec((_BM, ENTITY_DIM2), lambda i: (i, 0)),
            pl.BlockSpec((_BM, RELATION_DIM), lambda i: (i, 0)),
            pl.BlockSpec((IN_DIM, HIDDEN), lambda i: (0, 0)),
            pl.BlockSpec((HIDDEN,), lambda i: (0,)),
            pl.BlockSpec((HIDDEN, HIDDEN), lambda i: (0, 0)),
            pl.BlockSpec((HIDDEN,), lambda i: (0,)),
            pl.BlockSpec((HIDDEN, ENTITY_DIM2), lambda i: (0, 0)),
            pl.BlockSpec((ENTITY_DIM2,), lambda i: (0,)),
        ],
        out_specs=pl.BlockSpec((_BM, ENTITY_DIM2), lambda i: (i, 0)),
        out_shape=jax.ShapeDtypeStruct((BATCH, ENTITY_DIM2), jnp.float32),
    )(emb, rel, W1.astype(bf), b1, W2.astype(bf), b2, W0.astype(bf), b0)

# --- scband reference (transcript-rebuilt; emitter-appended) ---
"""Pipeline reference for scband-beta-estimator-30391188586631 (READ-ONLY COPY).

The authoritative reference and input builder live on the scoring server;
editing this copy changes nothing except your own understanding.
"""

import jax, jax.numpy as jnp
import numpy as np

N_ENTITY = 100000
N_RELATION = 1000
ENTITY_DIM = 128
RELATION_DIM = 128
HIDDEN_DIM = 512
BATCH = 4096
GAMMA = 24.0
EPSILON = 2.0


def _regularizer(x):
    # Regularizer(base_add=1, min_val=0.05, max_val=1e9)
    return jnp.clip(x + 1.0, 0.05, 1.0e9)


def setup_inputs(seed: int = 0) -> dict:
    key = jax.random.key(seed)
    ks = jax.random.split(key, 10)
    rng = (GAMMA + EPSILON) / ENTITY_DIM
    entity_table = jax.random.uniform(ks[0], (N_ENTITY, ENTITY_DIM * 2), dtype=jnp.float32, minval=-rng, maxval=rng)
    relation_table = jax.random.uniform(ks[1], (N_RELATION, RELATION_DIM), dtype=jnp.float32, minval=-rng, maxval=rng)
    in_dim = ENTITY_DIM * 2 + RELATION_DIM  # 384
    # xavier-uniform style init
    def xav(k, fan_in, fan_out):
        a = np.sqrt(6.0 / (fan_in + fan_out))
        return jax.random.uniform(k, (fan_in, fan_out), dtype=jnp.float32, minval=-a, maxval=a)
    W1 = xav(ks[2], in_dim, HIDDEN_DIM)
    b1 = jnp.zeros((HIDDEN_DIM,), dtype=jnp.float32)
    W2 = xav(ks[3], HIDDEN_DIM, HIDDEN_DIM)
    b2 = jnp.zeros((HIDDEN_DIM,), dtype=jnp.float32)
    W0 = xav(ks[4], HIDDEN_DIM, ENTITY_DIM * 2)
    b0 = jnp.zeros((ENTITY_DIM * 2,), dtype=jnp.float32)
    entity_ids = jax.random.randint(ks[5], (BATCH,), 0, N_ENTITY, dtype=jnp.int64 if jax.config.read('jax_enable_x64') else jnp.int32)
    proj_ids = jax.random.randint(ks[6], (BATCH,), 0, N_RELATION, dtype=jnp.int64 if jax.config.read('jax_enable_x64') else jnp.int32)
    return {
        'entity_ids': entity_ids,
        'proj_ids': proj_ids,
        'entity_table': entity_table,
        'relation_table': relation_table,
        'W1': W1, 'b1': b1, 'W2': W2, 'b2': b2, 'W0': W0, 'b0': b0,
    }


def reference(entity_ids, proj_ids, entity_table, relation_table, W1, b1, W2, b2, W0, b0):
    # get_entity_embedding: embedding lookup + entity_regularizer
    emb = jnp.take(entity_table, entity_ids, axis=0)
    emb = _regularizer(emb)
    # get_projection_embedding: relation lookup + BetaProjection MLP
    rel_emb = jnp.take(relation_table, proj_ids, axis=0)
    x = jnp.concatenate([emb, rel_emb], axis=-1)
    x = jax.nn.relu(x @ W1 + b1)   # layer1
    x = jax.nn.relu(x @ W2 + b2)   # layer2 (num_layers=2)
    x = x @ W0 + b0                # layer0
    x = _regularizer(x)            # projection_regularizer
    return x

if __name__ == "__main__":
    import jax
    _d = setup_inputs()
    print(jax.jit(kernel)(*tuple(_d.values())))

</pallas_src>

<mosaic_0001>
#map = affine_map<(d0, d1) -> (0)>
#map1 = affine_map<(d0, d1) -> (0, 0)>
module attributes {stable_mosaic.version = 14 : i64} {
  func.func @_gather_body(%arg0: i32, %arg1: i32, %arg2: memref<4096xi32, #tpu.memory_space<hbm>>, %arg3: memref<4096xi32, #tpu.memory_space<hbm>>, %arg4: memref<100000x256xf32, #tpu.memory_space<hbm>>, %arg5: memref<1000x128xf32, #tpu.memory_space<hbm>>, %arg6: memref<4096x256xf32, #tpu.memory_space<hbm>>, %arg7: memref<4096x128xf32, #tpu.memory_space<hbm>>, %arg8: memref<128xi32, #tpu.memory_space<vmem>>, %arg9: memref<128x256xf32, #tpu.memory_space<vmem>>, %arg10: memref<128xi32, #tpu.memory_space<vmem>>, %arg11: memref<128x128xf32, #tpu.memory_space<vmem>>, %arg12: memref<!tpu.dma_semaphore, #tpu.memory_space<semaphore_mem>>, %arg13: memref<!tpu.dma_semaphore, #tpu.memory_space<semaphore_mem>>, %arg14: memref<!tpu.dma_semaphore, #tpu.memory_space<semaphore_mem>>, %arg15: memref<!tpu.dma_semaphore, #tpu.memory_space<semaphore_mem>>, %arg16: memref<!tpu.dma_semaphore, #tpu.memory_space<semaphore_mem>>, %arg17: memref<!tpu.dma_semaphore, #tpu.memory_space<semaphore_mem>>) attributes {dimension_semantics = [#tpu.dimension_semantics<core_parallel>, #tpu.dimension_semantics<subcore_parallel>], iteration_bounds = array<i64: 2, 16>, scalar_prefetch = 0 : i64, scratch_operands = 10 : i64, tpu.core_type = #tpu.core_type<sc_vector_subcore>, window_params = [{transform_indices = #map}, {transform_indices = #map}, {transform_indices = #map1}, {transform_indices = #map1}, {transform_indices = #map1}, {transform_indices = #map1}]} {
    %mul3A = arith.constant 2 : i32
    %mul3A_0 = arith.muli %arg1, %mul3A : i32
    %add3A = arith.addi %mul3A_0, %arg0 : i32
    %mul3A_1 = arith.constant 128 : i32
    %mul3A_2 = arith.muli %add3A, %mul3A_1 : i32
    "tpu.region"() ({
      %run_scoped3A = tpu.sem_alloc : memref<!tpu.dma_semaphore, #tpu.memory_space<semaphore_mem>>
      %dma_start3A_89 = tpu.memref_slice %arg2[%mul3A_2] : memref<4096xi32, #tpu.memory_space<hbm>> -> memref<128xi32, #tpu.memory_space<hbm>>
      %dma_start3A_90 = tpu.memref_slice %arg2[%mul3A_2] : memref<4096xi32, #tpu.memory_space<hbm>> -> memref<128xi32, #tpu.memory_space<hbm>>
      tpu.enqueue_dma source(%dma_start3A_90 : memref<128xi32, #tpu.memory_space<hbm>>) target(%arg8 : memref<128xi32, #tpu.memory_space<vmem>>) target_semaphore(%run_scoped3A : memref<!tpu.dma_semaphore, #tpu.memory_space<semaphore_mem>>)
      %dma_wait3A_91 = tpu.memref_slice %arg2[%mul3A_2] : memref<4096xi32, #tpu.memory_space<hbm>> -> memref<128xi32, #tpu.memory_space<hbm>>
      %dma_wait3A_92 = tpu.memref_slice %arg2[%mul3A_2] : memref<4096xi32, #tpu.memory_space<hbm>> -> memref<128xi32, #tpu.memory_space<hbm>>
      tpu.wait_dma2 semaphore(%run_scoped3A : memref<!tpu.dma_semaphore, #tpu.memory_space<semaphore_mem>>) src(%dma_wait3A_92 : memref<128xi32, #tpu.memory_space<hbm>>) dst(%arg8 : memref<128xi32, #tpu.memory_space<vmem>>)
      tpu.yield
    }) : () -> ()
    "tpu.region"() ({
      %run_scoped3A = tpu.sem_alloc : memref<!tpu.dma_semaphore, #tpu.memory_space<semaphore_mem>>
      %dma_start3A_89 = tpu.memref_slice %arg3[%mul3A_2] : memref<4096xi32, #tpu.memory_space<hbm>> -> memref<128xi32, #tpu.memory_space<hbm>>
      %dma_start3A_90 = tpu.memref_slice %arg3[%mul3A_2] : memref<4096xi32, #tpu.memory_space<hbm>> -> memref<128xi32, #tpu.memory_space<hbm>>
      tpu.enqueue_dma source(%dma_start3A_90 : memref<128xi32, #tpu.memory_space<hbm>>) target(%arg10 : memref<128xi32, #tpu.memory_space<vmem>>) target_semaphore(%run_scoped3A : memref<!tpu.dma_semaphore, #tpu.memory_space<semaphore_mem>>)
      %dma_wait3A_91 = tpu.memref_slice %arg3[%mul3A_2] : memref<4096xi32, #tpu.memory_space<hbm>> -> memref<128xi32, #tpu.memory_space<hbm>>
      %dma_wait3A_92 = tpu.memref_slice %arg3[%mul3A_2] : memref<4096xi32, #tpu.memory_space<hbm>> -> memref<128xi32, #tpu.memory_space<hbm>>
      tpu.wait_dma2 semaphore(%run_scoped3A : memref<!tpu.dma_semaphore, #tpu.memory_space<semaphore_mem>>) src(%dma_wait3A_92 : memref<128xi32, #tpu.memory_space<hbm>>) dst(%arg10 : memref<128xi32, #tpu.memory_space<vmem>>)
      tpu.yield
    }) : () -> ()
    %dma_start3A = arith.constant 0 : i32
    %dma_start3A_3 = arith.constant 0 : i32
    %dma_start3A_4 = tpu.memref_slice %arg9[%dma_start3A, %dma_start3A_3] : memref<128x256xf32, #tpu.memory_space<vmem>> -> memref<64x256xf32, #tpu.memory_space<vmem>>
    %dma_start3A_5 = arith.constant 0 : i32
    %dma_start3A_6 = tpu.memref_slice %arg8[%dma_start3A_5] : memref<128xi32, #tpu.memory_space<vmem>> -> memref<64xi32, #tpu.memory_space<vmem>>
    %dma_start3A_7 = arith.constant 0 : i32
    %dma_start3A_8 = arith.constant 0 : i32
    %dma_start3A_9 = tpu.memref_slice %arg4[%dma_start3A_7, %dma_start3A_8] : memref<100000x256xf32, #tpu.memory_space<hbm>> -> memref<100000x256xf32, #tpu.memory_space<hbm>>
    tpu.enqueue_indirect_dma source(%dma_start3A_9 : memref<100000x256xf32, #tpu.memory_space<hbm>>) target(%dma_start3A_4 : memref<64x256xf32, #tpu.memory_space<vmem>>) offsets(%dma_start3A_6 : memref<64xi32, #tpu.memory_space<vmem>>) semaphore(%arg12 : memref<!tpu.dma_semaphore, #tpu.memory_space<semaphore_mem>>)
    %dma_start3A_10 = arith.constant 64 : i32
    %dma_start3A_11 = arith.constant 0 : i32
    %dma_start3A_12 = tpu.memref_slice %arg9[%dma_start3A_10, %dma_start3A_11] : memref<128x256xf32, #tpu.memory_space<vmem>> -> memref<64x256xf32, #tpu.memory_space<vmem>>
    %dma_start3A_13 = arith.constant 64 : i32
    %dma_start3A_14 = tpu.memref_slice %arg8[%dma_start3A_13] : memref<128xi32, #tpu.memory_space<vmem>> -> memref<64xi32, #tpu.memory_space<vmem>>
    %dma_start3A_15 = arith.constant 0 : i32
    %dma_start3A_16 = arith.constant 0 : i32
    %dma_start3A_17 = tpu.memref_slice %arg4[%dma_start3A_15, %dma_start3A_16] : memref<100000x256xf32, #tpu.memory_space<hbm>> -> memref<100000x256xf32, #tpu.memory_space<hbm>>
    tpu.enqueue_indirect_dma source(%dma_start3A_17 : memref<100000x256xf32, #tpu.memory_space<hbm>>) target(%dma_start3A_12 : memref<64x256xf32, #tpu.memory_space<vmem>>) offsets(%dma_start3A_14 : memref<64xi32, #tpu.memory_space<vmem>>) semaphore(%arg13 : memref<!tpu.dma_semaphore, #tpu.memory_space<semaphore_mem>>)
    %dma_start3A_18 = arith.constant 0 : i32
    %dma_start3A_19 = arith.constant 0 : i32
    %dma_start3A_20 = tpu.memref_slice %arg5[%dma_start3A_18, %dma_start3A_19] : memref<1000x128xf32, #tpu.memory_space<hbm>> -> memref<1000x128xf32, #tpu.memory_space<hbm>>
    tpu.enqueue_indirect_dma source(%dma_start3A_20 : memref<1000x128xf32, #tpu.memory_space<hbm>>) target(%arg11 : memref<128x128xf32, #tpu.memory_space<vmem>>) offsets(%arg10 : memref<128xi32, #tpu.memory_space<vmem>>) semaphore(%arg14 : memref<!tpu.dma_semaphore, #tpu.memory_space<semaphore_mem>>)
    %dma_wait3A = arith.constant 0 : i32
    %dma_wait3A_21 = arith.constant 0 : i32
    %dma_wait3A_22 = tpu.memref_slice %arg9[%dma_wait3A, %dma_wait3A_21] : memref<128x256xf32, #tpu.memory_space<vmem>> -> memref<64x256xf32, #tpu.memory_space<vmem>>
    %dma_wait3A_23 = arith.constant 0 : i32
    %dma_wait3A_24 = tpu.memref_slice %arg8[%dma_wait3A_23] : memref<128xi32, #tpu.memory_space<vmem>> -> memref<64xi32, #tpu.memory_space<vmem>>
    %dma_wait3A_25 = arith.constant 0 : i32
    %dma_wait3A_26 = arith.constant 0 : i32
    %dma_wait3A_27 = tpu.memref_slice %arg4[%dma_wait3A_25, %dma_wait3A_26] : memref<100000x256xf32, #tpu.memory_space<hbm>> -> memref<100000x256xf32, #tpu.memory_space<hbm>>
    tpu.wait_indirect_dma semaphore(%arg12 : memref<!tpu.dma_semaphore, #tpu.memory_space<semaphore_mem>>) src(%dma_wait3A_27 : memref<100000x256xf32, #tpu.memory_space<hbm>>) dst(%dma_wait3A_22 : memref<64x256xf32, #tpu.memory_space<vmem>>)
    %dma_start3A_28 = arith.constant 0 : i32
    %dma_start3A_29 = arith.constant 0 : i32
    %dma_start3A_30 = tpu.memref_slice %arg9[%dma_start3A_28, %dma_start3A_29] : memref<128x256xf32, #tpu.memory_space<vmem>> -> memref<64x256xf32, #tpu.memory_space<vmem>>
    %dma_start3A_31 = arith.constant 0 : i32
    %dma_start3A_32 = tpu.memref_slice %arg6[%mul3A_2, %dma_start3A_31] : memref<4096x256xf32, #tpu.memory_space<hbm>> -> memref<64x256xf32, #tpu.memory_space<hbm>>
    %dma_start3A_33 = arith.constant 0 : i32
    %dma_start3A_34 = tpu.memref_slice %arg6[%mul3A_2, %dma_start3A_33] : memref<4096x256xf32, #tpu.memory_space<hbm>> -> memref<64x256xf32, #tpu.memory_space<hbm>>
    %dma_start3A_35 = arith.constant 0 : i32
    %dma_start3A_36 = arith.constant 0 : i32
    %dma_start3A_37 = tpu.memref_slice %arg9[%dma_start3A_35, %dma_start3A_36] : memref<128x256xf32, #tpu.memory_space<vmem>> -> memref<64x256xf32, #tpu.memory_space<vmem>>
    tpu.enqueue_dma source(%dma_start3A_37 : memref<64x256xf32, #tpu.memory_space<vmem>>) target(%dma_start3A_34 : memref<64x256xf32, #tpu.memory_space<hbm>>) target_semaphore(%arg15 : memref<!tpu.dma_semaphore, #tpu.memory_space<semaphore_mem>>)
    %dma_wait3A_38 = arith.constant 0 : i32
    %dma_wait3A_39 = arith.constant 0 : i32
    %dma_wait3A_40 = tpu.memref_slice %arg5[%dma_wait3A_38, %dma_wait3A_39] : memref<1000x128xf32, #tpu.memory_space<hbm>> -> memref<1000x128xf32, #tpu.memory_space<hbm>>
    tpu.wait_indirect_dma semaphore(%arg14 : memref<!tpu.dma_semaphore, #tpu.memory_space<semaphore_mem>>) src(%dma_wait3A_40 : memref<1000x128xf32, #tpu.memory_space<hbm>>) dst(%arg11 : memref<128x128xf32, #tpu.memory_space<vmem>>)
    %dma_start3A_41 = arith.constant 0 : i32
    %dma_start3A_42 = tpu.memref_slice %arg7[%mul3A_2, %dma_start3A_41] : memref<4096x128xf32, #tpu.memory_space<hbm>> -> memref<128x128xf32, #tpu.memory_space<hbm>>
    %dma_start3A_43 = arith.constant 0 : i32
    %dma_start3A_44 = tpu.memref_slice %arg7[%mul3A_2, %dma_start3A_43] : memref<4096x128xf32, #tpu.memory_space<hbm>> -> memref<128x128xf32, #tpu.memory_space<hbm>>
    tpu.enqueue_dma source(%arg11 : memref<128x128xf32, #tpu.memory_space<vmem>>) target(%dma_start3A_44 : memref<128x128xf32, #tpu.memory_space<hbm>>) target_semaphore(%arg17 : memref<!tpu.dma_semaphore, #tpu.memory_space<semaphore_mem>>)
    %dma_wait3A_45 = arith.constant 64 : i32
    %dma_wait3A_46 = arith.constant 0 : i32
    %dma_wait3A_47 = tpu.memref_slice %arg9[%dma_wait3A_45, %dma_wait3A_46] : memref<128x256xf32, #tpu.memory_space<vmem>> -> memref<64x256xf32, #tpu.memory_space<vmem>>
    %dma_wait3A_48 = arith.constant 64 : i32
    %dma_wait3A_49 = tpu.memref_slice %arg8[%dma_wait3A_48] : memref<128xi32, #tpu.memory_space<vmem>> -> memref<64xi32, #tpu.memory_space<vmem>>
    %dma_wait3A_50 = arith.constant 0 : i32
    %dma_wait3A_51 = arith.constant 0 : i32
    %dma_wait3A_52 = tpu.memref_slice %arg4[%dma_wait3A_50, %dma_wait3A_51] : memref<100000x256xf32, #tpu.memory_space<hbm>> -> memref<100000x256xf32, #tpu.memory_space<hbm>>
    tpu.wait_indirect_dma semaphore(%arg13 : memref<!tpu.dma_semaphore, #tpu.memory_space<semaphore_mem>>) src(%dma_wait3A_52 : memref<100000x256xf32, #tpu.memory_space<hbm>>) dst(%dma_wait3A_47 : memref<64x256xf32, #tpu.memory_space<vmem>>)
    %add3A_53 = arith.constant 64 : i32
    %add3A_54 = arith.addi %mul3A_2, %add3A_53 : i32
    %dma_start3A_55 = arith.constant 64 : i32
    %dma_start3A_56 = arith.constant 0 : i32
    %dma_start3A_57 = tpu.memref_slice %arg9[%dma_start3A_55, %dma_start3A_56] : memref<128x256xf32, #tpu.memory_space<vmem>> -> memref<64x256xf32, #tpu.memory_space<vmem>>
    %dma_start3A_58 = arith.constant 0 : i32
    %dma_start3A_59 = tpu.memref_slice %arg6[%add3A_54, %dma_start3A_58] : memref<4096x256xf32, #tpu.memory_space<hbm>> -> memref<64x256xf32, #tpu.memory_space<hbm>>
    %dma_start3A_60 = arith.constant 0 : i32
    %dma_start3A_61 = tpu.memref_slice %arg6[%add3A_54, %dma_start3A_60] : memref<4096x256xf32, #tpu.memory_space<hbm>> -> memref<64x256xf32, #tpu.memory_space<hbm>>
    %dma_start3A_62 = arith.constant 64 : i32
    %dma_start3A_63 = arith.constant 0 : i32
    %dma_start3A_64 = tpu.memref_slice %arg9[%dma_start3A_62, %dma_start3A_63] : memref<128x256xf32, #tpu.memory_space<vmem>> -> memref<64x256xf32, #tpu.memory_space<vmem>>
    tpu.enqueue_dma source(%dma_start3A_64 : memref<64x256xf32, #tpu.memory_space<vmem>>) target(%dma_start3A_61 : memref<64x256xf32, #tpu.memory_space<hbm>>) target_semaphore(%arg16 : memref<!tpu.dma_semaphore, #tpu.memory_space<semaphore_mem>>)
    %dma_wait3A_65 = arith.constant 0 : i32
    %dma_wait3A_66 = arith.constant 0 : i32
    %dma_wait3A_67 = tpu.memref_slice %arg9[%dma_wait3A_65, %dma_wait3A_66] : memref<128x256xf32, #tpu.memory_space<vmem>> -> memref<64x256xf32, #tpu.memory_space<vmem>>
    %dma_wait3A_68 = arith.constant 0 : i32
    %dma_wait3A_69 = tpu.memref_slice %arg6[%mul3A_2, %dma_wait3A_68] : memref<4096x256xf32, #tpu.memory_space<hbm>> -> memref<64x256xf32, #tpu.memory_space<hbm>>
    %dma_wait3A_70 = arith.constant 0 : i32
    %dma_wait3A_71 = tpu.memref_slice %arg6[%mul3A_2, %dma_wait3A_70] : memref<4096x256xf32, #tpu.memory_space<hbm>> -> memref<64x256xf32, #tpu.memory_space<hbm>>
    %dma_wait3A_72 = arith.constant 0 : i32
    %dma_wait3A_73 = arith.constant 0 : i32
    %dma_wait3A_74 = tpu.memref_slice %arg9[%dma_wait3A_72, %dma_wait3A_73] : memref<128x256xf32, #tpu.memory_space<vmem>> -> memref<64x256xf32, #tpu.memory_space<vmem>>
    tpu.wait_dma2 semaphore(%arg15 : memref<!tpu.dma_semaphore, #tpu.memory_space<semaphore_mem>>) src(%dma_wait3A_74 : memref<64x256xf32, #tpu.memory_space<vmem>>) dst(%dma_wait3A_71 : memref<64x256xf32, #tpu.memory_space<hbm>>)
    %dma_wait3A_75 = arith.constant 0 : i32
    %dma_wait3A_76 = tpu.memref_slice %arg7[%mul3A_2, %dma_wait3A_75] : memref<4096x128xf32, #tpu.memory_space<hbm>> -> memref<128x128xf32, #tpu.memory_space<hbm>>
    %dma_wait3A_77 = arith.constant 0 : i32
    %dma_wait3A_78 = tpu.memref_slice %arg7[%mul3A_2, %dma_wait3A_77] : memref<4096x128xf32, #tpu.memory_space<hbm>> -> memref<128x128xf32, #tpu.memory_space<hbm>>
    tpu.wait_dma2 semaphore(%arg17 : memref<!tpu.dma_semaphore, #tpu.memory_space<semaphore_mem>>) src(%arg11 : memref<128x128xf32, #tpu.memory_space<vmem>>) dst(%dma_wait3A_78 : memref<128x128xf32, #tpu.memory_space<hbm>>)
    %dma_wait3A_79 = arith.constant 64 : i32
    %dma_wait3A_80 = arith.constant 0 : i32
    %dma_wait3A_81 = tpu.memref_slice %arg9[%dma_wait3A_79, %dma_wait3A_80] : memref<128x256xf32, #tpu.memory_space<vmem>> -> memref<64x256xf32, #tpu.memory_space<vmem>>
    %dma_wait3A_82 = arith.constant 0 : i32
    %dma_wait3A_83 = tpu.memref_slice %arg6[%add3A_54, %dma_wait3A_82] : memref<4096x256xf32, #tpu.memory_space<hbm>> -> memref<64x256xf32, #tpu.memory_space<hbm>>
    %dma_wait3A_84 = arith.constant 0 : i32
    %dma_wait3A_85 = tpu.memref_slice %arg6[%add3A_54, %dma_wait3A_84] : memref<4096x256xf32, #tpu.memory_space<hbm>> -> memref<64x256xf32, #tpu.memory_space<hbm>>
    %dma_wait3A_86 = arith.constant 64 : i32
    %dma_wait3A_87 = arith.constant 0 : i32
    %dma_wait3A_88 = tpu.memref_slice %arg9[%dma_wait3A_86, %dma_wait3A_87] : memref<128x256xf32, #tpu.memory_space<vmem>> -> memref<64x256xf32, #tpu.memory_space<vmem>>
    tpu.wait_dma2 semaphore(%arg16 : memref<!tpu.dma_semaphore, #tpu.memory_space<semaphore_mem>>) src(%dma_wait3A_88 : memref<64x256xf32, #tpu.memory_space<vmem>>) dst(%dma_wait3A_85 : memref<64x256xf32, #tpu.memory_space<hbm>>)
    return
  }
}

module attributes {stable_mosaic.version = 14 : i64} {
  func.func @_mlp_body(%arg0: i32, %arg1: memref<2048x256xf32, #tpu.memory_space<vmem>>, %arg2: memref<2048x128xf32, #tpu.memory_space<vmem>>, %arg3: memref<384x512xbf16, #tpu.memory_space<vmem>>, %arg4: memref<512xf32, #tpu.memory_space<vmem>>, %arg5: memref<512x512xbf16, #tpu.memory_space<vmem>>, %arg6: memref<512xf32, #tpu.memory_space<vmem>>, %arg7: memref<512x256xbf16, #tpu.memory_space<vmem>>, %arg8: memref<256xf32, #tpu.memory_space<vmem>>, %arg9: memref<2048x256xf32, #tpu.memory_space<vmem>>) attributes {dimension_semantics = [#tpu.dimension_semantics<arbitrary>], iteration_bounds = array<i64: 2>, scalar_prefetch = 0 : i64, scratch_operands = 0 : i64, tpu.core_type = #tpu.core_type<tc>, window_params = [{transform_indices = @transform_0, window_bounds = array<i64: 2048, 256>}, {transform_indices = @transform_1, window_bounds = array<i64: 2048, 128>}, {pipeline_mode = #tpu.pipeline_mode<synchronous>, transform_indices = @transform_2, window_bounds = array<i64: 384, 512>}, {pipeline_mode = #tpu.pipeline_mode<synchronous>, transform_indices = @transform_3, window_bounds = array<i64: 512>}, {pipeline_mode = #tpu.pipeline_mode<synchronous>, transform_indices = @transform_4, window_bounds = array<i64: 512, 512>}, {pipeline_mode = #tpu.pipeline_mode<synchronous>, transform_indices = @transform_5, window_bounds = array<i64: 512>}, {pipeline_mode = #tpu.pipeline_mode<synchronous>, transform_indices = @transform_6, window_bounds = array<i64: 512, 256>}, {pipeline_mode = #tpu.pipeline_mode<synchronous>, transform_indices = @transform_7, window_bounds = array<i64: 256>}, {transform_indices = @transform_8, window_bounds = array<i64: 2048, 256>}]} {
    %get3A = arith.constant 0 : index
    %get3A_0 = arith.constant 0 : index
    %get3A_1 = vector.load %arg1[%get3A, %get3A_0] : memref<2048x256xf32, #tpu.memory_space<vmem>>, vector<2048x256xf32>
    %add3A = arith.constant 1.000000e+00 : f32
    %add3A_2 = vector.broadcast %add3A : f32 to vector<2048x256xf32>
    %add3A_3 = arith.addf %get3A_1, %add3A_2 : vector<2048x256xf32>
    %jit3A = arith.constant 5.000000e-02 : f32
    %jit3A_4 = arith.constant 1.000000e+09 : f32
    %max3A = vector.broadcast %jit3A : f32 to vector<2048x256xf32>
    %max3A_5 = arith.maximumf %max3A, %add3A_3 : vector<2048x256xf32>
    %min3A = vector.broadcast %jit3A_4 : f32 to vector<2048x256xf32>
    %min3A_6 = arith.minimumf %min3A, %max3A_5 : vector<2048x256xf32>
    %convert_element_type3A = arith.truncf %min3A_6 : vector<2048x256xf32> to vector<2048x256xbf16>
    %get3A_7 = arith.constant 0 : index
    %get3A_8 = arith.constant 0 : index
    %get3A_9 = vector.load %arg2[%get3A_7, %get3A_8] : memref<2048x128xf32, #tpu.memory_space<vmem>>, vector<2048x128xf32>
    %convert_element_type3A_10 = arith.truncf %get3A_9 : vector<2048x128xf32> to vector<2048x128xbf16>
    %get3A_11 = arith.constant 0 : index
    %get3A_12 = arith.constant 0 : index
    %get3A_13 = vector.load %arg3[%get3A_11, %get3A_12] : memref<384x512xbf16, #tpu.memory_space<vmem>>, vector<384x512xbf16>
    %slice3A = vector.extract_strided_slice %get3A_13 {offsets = [0, 0], sizes = [256, 512], strides = [1, 1]} : vector<384x512xbf16> to vector<256x512xbf16>
    %dot_general3A = arith.constant dense<0.000000e+00> : vector<2048x512xf32>
    %dot_general3A_14 = tpu.matmul %convert_element_type3A, %slice3A, %dot_general3A {dimension_numbers = #tpu.dot_dimension_numbers<[1], [0], [0], [1], [0, 0, 1, 1], [], []>, transpose_lhs_hint = false} : vector<2048x256xbf16>, vector<256x512xbf16>, vector<2048x512xf32> -> vector<2048x512xf32>
    %slice3A_15 = vector.extract_strided_slice %get3A_13 {offsets = [256, 0], sizes = [128, 512], strides = [1, 1]} : vector<384x512xbf16> to vector<128x512xbf16>
    %dot_general3A_16 = arith.constant dense<0.000000e+00> : vector<2048x512xf32>
    %dot_general3A_17 = tpu.matmul %convert_element_type3A_10, %slice3A_15, %dot_general3A_16 {dimension_numbers = #tpu.dot_dimension_numbers<[1], [0], [0], [1], [0, 0, 1, 1], [], []>, transpose_lhs_hint = false} : vector<2048x128xbf16>, vector<128x512xbf16>, vector<2048x512xf32> -> vector<2048x512xf32>
    %add3A_18 = arith.addf %dot_general3A_14, %dot_general3A_17 : vector<2048x512xf32>
    %get3A_19 = arith.constant 0 : index
    %get3A_20 = vector.load %arg4[%get3A_19] : memref<512xf32, #tpu.memory_space<vmem>>, vector<512xf32>
    %broadcast_in_dim3A = vector.shape_cast %get3A_20 : vector<512xf32> to vector<1x512xf32>
    %add3A_21 = vector.broadcast %broadcast_in_dim3A : vector<1x512xf32> to vector<2048x512xf32>
    %add3A_22 = arith.addf %add3A_18, %add3A_21 : vector<2048x512xf32>
    %max3A_23 = arith.constant 0.000000e+00 : f32
    %max3A_24 = vector.broadcast %max3A_23 : f32 to vector<2048x512xf32>
    %max3A_25 = arith.maximumf %add3A_22, %max3A_24 : vector<2048x512xf32>
    %convert_element_type3A_26 = arith.truncf %max3A_25 : vector<2048x512xf32> to vector<2048x512xbf16>
    %get3A_27 = arith.constant 0 : index
    %get3A_28 = arith.constant 0 : index
    %get3A_29 = vector.load %arg5[%get3A_27, %get3A_28] : memref<512x512xbf16, #tpu.memory_space<vmem>>, vector<512x512xbf16>
    %dot_general3A_30 = arith.constant dense<0.000000e+00> : vector<2048x512xf32>
    %dot_general3A_31 = tpu.matmul %convert_element_type3A_26, %get3A_29, %dot_general3A_30 {dimension_numbers = #tpu.dot_dimension_numbers<[1], [0], [0], [1], [0, 0, 1, 1], [], []>, transpose_lhs_hint = false} : vector<2048x512xbf16>, vector<512x512xbf16>, vector<2048x512xf32> -> vector<2048x512xf32>
    %get3A_32 = arith.constant 0 : index
    %get3A_33 = vector.load %arg6[%get3A_32] : memref<512xf32, #tpu.memory_space<vmem>>, vector<512xf32>
    %broadcast_in_dim3A_34 = vector.shape_cast %get3A_33 : vector<512xf32> to vector<1x512xf32>
    %add3A_35 = vector.broadcast %broadcast_in_dim3A_34 : vector<1x512xf32> to vector<2048x512xf32>
    %add3A_36 = arith.addf %dot_general3A_31, %add3A_35 : vector<2048x512xf32>
    %max3A_37 = arith.constant 0.000000e+00 : f32
    %max3A_38 = vector.broadcast %max3A_37 : f32 to vector<2048x512xf32>
    %max3A_39 = arith.maximumf %add3A_36, %max3A_38 : vector<2048x512xf32>
    %convert_element_type3A_40 = arith.truncf %max3A_39 : vector<2048x512xf32> to vector<2048x512xbf16>
    %get3A_41 = arith.constant 0 : index
    %get3A_42 = arith.constant 0 : index
    %get3A_43 = vector.load %arg7[%get3A_41, %get3A_42] : memref<512x256xbf16, #tpu.memory_space<vmem>>, vector<512x256xbf16>
    %dot_general3A_44 = arith.constant dense<0.000000e+00> : vector<2048x256xf32>
    %dot_general3A_45 = tpu.matmul %convert_element_type3A_40, %get3A_43, %dot_general3A_44 {dimension_numbers = #tpu.dot_dimension_numbers<[1], [0], [0], [1], [0, 0, 1, 1], [], []>, transpose_lhs_hint = false} : vector<2048x512xbf16>, vector<512x256xbf16>, vector<2048x256xf32> -> vector<2048x256xf32>
    %get3A_46 = arith.constant 0 : index
    %get3A_47 = vector.load %arg8[%get3A_46] : memref<256xf32, #tpu.memory_space<vmem>>, vector<256xf32>
    %broadcast_in_dim3A_48 = vector.shape_cast %get3A_47 : vector<256xf32> to vector<1x256xf32>
    %add3A_49 = vector.broadcast %broadcast_in_dim3A_48 : vector<1x256xf32> to vector<2048x256xf32>
    %add3A_50 = arith.addf %dot_general3A_45, %add3A_49 : vector<2048x256xf32>
    %add3A_51 = arith.constant 1.000000e+00 : f32
    %add3A_52 = vector.broadcast %add3A_51 : f32 to vector<2048x256xf32>
    %add3A_53 = arith.addf %add3A_50, %add3A_52 : vector<2048x256xf32>
    %jit3A_54 = arith.constant 5.000000e-02 : f32
    %jit3A_55 = arith.constant 1.000000e+09 : f32
    %max3A_56 = vector.broadcast %jit3A_54 : f32 to vector<2048x256xf32>
    %max3A_57 = arith.maximumf %max3A_56, %add3A_53 : vector<2048x256xf32>
    %min3A_58 = vector.broadcast %jit3A_55 : f32 to vector<2048x256xf32>
    %min3A_59 = arith.minimumf %min3A_58, %max3A_57 : vector<2048x256xf32>
    %swap3A = arith.constant 0 : index
    %swap3A_60 = arith.constant 0 : index
    %swap3A_61 = vector.load %arg9[%swap3A, %swap3A_60] : memref<2048x256xf32, #tpu.memory_space<vmem>>, vector<2048x256xf32>
    tpu.vector_store %arg9[%swap3A, %swap3A_60], %min3A_59 {strides = array<i32>} : memref<2048x256xf32, #tpu.memory_space<vmem>>, vector<2048x256xf32>,
    return
  }
  func.func @transform_0(%arg0: i32) -> (i32, i32) {
    %c0_i32 = arith.constant 0 : i32
    %c0_i32_0 = arith.constant 0 : i32
    return %arg0, %c0_i32 : i32, i32
  }
  func.func @transform_1(%arg0: i32) -> (i32, i32) {
    %c0_i32 = arith.constant 0 : i32
    %c0_i32_0 = arith.constant 0 : i32
    return %arg0, %c0_i32 : i32, i32
  }
  func.func @transform_2(%arg0: i32) -> (i32, i32) {
    %c0_i32 = arith.constant 0 : i32
    %c0_i32_0 = arith.constant 0 : i32
    %c0_i32_1 = arith.constant 0 : i32
    return %c0_i32, %c0_i32_0 : i32, i32
  }
  func.func @transform_3(%arg0: i32) -> i32 {
    %c0_i32 = arith.constant 0 : i32
    %c0_i32_0 = arith.constant 0 : i32
    return %c0_i32 : i32
  }
  func.func @transform_4(%arg0: i32) -> (i32, i32) {
    %c0_i32 = arith.constant 0 : i32
    %c0_i32_0 = arith.constant 0 : i32
    %c0_i32_1 = arith.constant 0 : i32
    return %c0_i32, %c0_i32_0 : i32, i32
  }
  func.func @transform_5(%arg0: i32) -> i32 {
    %c0_i32 = arith.constant 0 : i32
    %c0_i32_0 = arith.constant 0 : i32
    return %c0_i32 : i32
  }
  func.func @transform_6(%arg0: i32) -> (i32, i32) {
    %c0_i32 = arith.constant 0 : i32
    %c0_i32_0 = arith.constant 0 : i32
    %c0_i32_1 = arith.constant 0 : i32
    return %c0_i32, %c0_i32_0 : i32, i32
  }
  func.func @transform_7(%arg0: i32) -> i32 {
    %c0_i32 = arith.constant 0 : i32
    %c0_i32_0 = arith.constant 0 : i32
    return %c0_i32 : i32
  }
  func.func @transform_8(%arg0: i32) -> (i32, i32) {
    %c0_i32 = arith.constant 0 : i32
    %c0_i32_0 = arith.constant 0 : i32
    return %arg0, %c0_i32 : i32, i32
  }
}

</mosaic_0001>

<sc_bundles>
// kernel: kernel.4.cloned.1.call-start
scs
__scs_entry_jumppad:
0x0: {  	(pc) =	sbr.rel $0x88, $3  }
0x1: {  	(tag) =	ssettag $0x0;
	lr =	simm.s32 $0x1  }
0x2: {  	[smem:$0x3F97] =	sst lr;
	_ =	strace $0xD0000000  }
0x3: {  	_ = 	snop  }
0x4: {  	_ = 	snop  }
0x5: {  	_ = 	snop  }
0x6: {  	_ = 	snop  }
0x7: {  	_ = 	snop  }
__scs_overlays_trampoline_lowered:
0x8: {  	[smem:$0x3FA6] =	sst s0  }
0x9: {  	[smem:$0x3FA7] =	sst s1  }
0xa: {  	[smem:$0x3FA8] =	sst s2  }
0xb: {  	[smem:$0x3FA9] =	sst s3  }
0xc: {  	[smem:$0x3FAA] =	sst s4  }
0xd: {  	[smem:$0x3FAB] =	sst s5  }
0xe: {  	[smem:$0x3FAC] =	sst s6  }
0xf: {  	[smem:$0x3FAD] =	sst s7  }
0x10: {  	[smem:$0x3FAE] =	sst s8  }
0x11: {  	[smem:$0x3FAF] =	sst s9;
	s0 =	simm.s32 @!p0 $0x0  }
0x12: {  	s1 =	sld [smem:$0x3F95];
	s0 =	simm.s32 @p0 $0x1  }
0x13: {  	[smem:$0x3FB0] =	sst s0;
	s0 =	simm.s32 @!p1 $0x0  }
0x14: {  	s2 =	sld [smem:$0x3F94];
	s0 =	simm.s32 @p1 $0x1  }
0x15: {  	[smem:$0x3FB1] =	sst s0;
	s0 =	simm.s32 @!p2 $0x0  }
0x16: {  	s3 =	sld [smem:$0x3FDB];
	s0 =	simm.s32 @p2 $0x1  }
0x17: {  	s4 =	simm.s32 $0x1BF5;
	[smem:$0x3FB3] =	sst s0  }
0x18: {  	s0 =	sld [smem:$0x3F96];
	_ =	swait.ge [sflag:s4], $0x0  }
0x19: {  	s7 =	sld [smem:$0x3F97]  }
0x1a: {  	s8 =	sadd.s32 $0xFFFFE003, lr  }
0x1b: {  	s9 =	sadd.s32 $0xFFFFFEF7, lr;
	s5 =	simm.s32 $0xFFFFFFFF;
	p2 =	slt.u32 s8, $0xFFFFF086  }
0x1c: {  	p1 =	slt.u32 s9, $0xF7A;
	s5 =	simm.s32 @!p2 $0x0  }
0x1d: {  	s5 =	simm.s32 @p1 $0x1;
	p0 =	seq.s32 s7, s2  }
0x1e: {  	s7 =	smul.u32 @!p0 $0xF7A, s2;
	p2 =	seq.s32 @!p0 s5, $0x0  }
0x1f: {  	s9 =	smul.u32 $0xF7A, s1;
	s8 =	simm.s32 @!p0 $0x1BF5;
	p2 =	por !p2, p0  }
0x20: {  	[sflag:s8] =	ssyncset.s32 @!p0 $0xFFFFF086;
	s6 =	sadd.s32 @!p0 s3, s7;
	s7 =	simm.s32 @!p0 $0x108  }
0x21: {  	s3 =	sadd.s32 s3, s9;
	s6 =	sadd.s32 @!p0 $0x88, s6;
	s7 =	simm.s32 @p2 $0x1082  }
0x22: {  	[simem:s7], [sflag:s8] =	dma.local @!p0 [hbm:s6], $0xF7A  }
0x23: {  	s9 =	sor.u32 $0xD0000000, s2;
	s6 =	simm.s32 $0x108;
	_ =	swait.ge @!p0 [sflag:s8], $0x0  }
0x24: {  	s3 =	sadd.s32 $0x88, s3;
	s6 =	simm.s32 @!p1 $0x1082;
	[sflag:s4] =	ssyncset.s32 $0xFFFFF086  }
0x25: {  	[simem:s6], [sflag:s4] =	dma.local [hbm:s3], $0xF7A  }
0x26: {  	[smem:$0x3F97] =	sst s1;
	(tag) =	ssettag s2;
	_ =	strace s9  }
0x27: {  	s1 =	sld [smem:$0x3FA7]  }
0x28: {  	s2 =	sld [smem:$0x3FA8]  }
0x29: {  	s4 =	sld [smem:$0x3FAA]  }
0x2a: {  	p0 =	seq.s32 s5, $0x0;
	s5 =	sld [smem:$0x3FAB]  }
0x2b: {  	s6 =	sld [smem:$0x3FAC]  }
0x2c: {  	s7 =	sld [smem:$0x3FAD]  }
0x2d: {  	s3 =	simm.s32 $0x108;
	s8 =	sld [smem:$0x3FAE]  }
0x2e: {  	s3 =	simm.s32 @!p0 $0x1082;
	s9 =	sld [smem:$0x3FAF]  }
0x2f: {  	lr =	sadd.s32 s0, s3;
	s0 =	sld [smem:$0x3FA6]  }
0x30: {  	s3 =	sld [smem:$0x3FA9]  }
0x31: {  	[smem:$0x3FB2] =	sst s10  }
0x32: {  	s10 =	sld [smem:$0x3FB0];
	_ =	sdelay $0x3  }
0x33: {  	p0 =	seq.s32 s10, $0x1;
	s10 =	sld [smem:$0x3FB2];
	_ =	sdelay $0x3  }
0x34: {  	[smem:$0x3FB2] =	sst s10  }
0x35: {  	s10 =	sld [smem:$0x3FB1];
	_ =	sdelay $0x3  }
0x36: {  	p1 =	seq.s32 s10, $0x1;
	s10 =	sld [smem:$0x3FB2];
	_ =	sdelay $0x3  }
0x37: {  	[smem:$0x3FB2] =	sst s10  }
0x38: {  	s10 =	sld [smem:$0x3FB3]  }
0x39: {  	_ = 	snop;
	(pc) =	sbr.ind lr, $3  }
0x3a: {  	_ = 	snop  }
0x3b: {  	_ = 	snop  }
0x3c: {  	p2 =	seq.s32 s10, $0x1;
	s10 =	sld [smem:$0x3FB2]  }
0x3d: {  	_ =	shalt  }
0x3e: {  	_ =	shalt  }
0x3f: {  	_ =	shalt  }
0x40: {  	_ =	shalt  }
0x41: {  	_ =	shalt  }
0x42: {  	_ =	shalt  }
0x43: {  	_ =	shalt  }
0x44: {  	_ =	shalt  }
0x45: {  	_ =	shalt  }
0x46: {  	_ =	shalt  }
0x47: {  	_ =	shalt  }
0x48: {  	_ =	shalt  }
0x49: {  	_ =	shalt  }
0x4a: {  	_ =	shalt  }
0x4b: {  	_ =	shalt  }
0x4c: {  	_ =	shalt  }
0x4d: {  	_ =	shalt  }
0x4e: {  	_ =	shalt  }
0x4f: {  	_ =	shalt  }
0x50: {  	_ =	shalt  }
0x51: {  	_ =	shalt  }
0x52: {  	_ =	shalt  }
0x53: {  	_ =	shalt  }
0x54: {  	_ =	shalt  }
0x55: {  	_ =	shalt  }
0x56: {  	_ =	shalt  }
0x57: {  	_ =	shalt  }
0x58: {  	_ =	shalt  }
0x59: {  	_ =	shalt  }
0x5a: {  	_ =	shalt  }
0x5b: {  	_ =	shalt  }
0x5c: {  	_ =	shalt  }
0x5d: {  	_ =	shalt  }
0x5e: {  	_ =	shalt  }
0x5f: {  	_ =	shalt  }
0x60: {  	_ =	shalt  }
0x61: {  	_ =	shalt  }
0x62: {  	_ =	shalt  }
0x63: {  	_ =	shalt  }
0x64: {  	_ =	shalt  }
0x65: {  	_ =	shalt  }
0x66: {  	_ =	shalt  }
0x67: {  	_ =	shalt  }
0x68: {  	_ =	shalt  }
0x69: {  	_ =	shalt  }
0x6a: {  	_ =	shalt  }
0x6b: {  	_ =	shalt  }
0x6c: {  	_ =	shalt  }
0x6d: {  	_ =	shalt  }
0x6e: {  	_ =	shalt  }
0x6f: {  	_ =	shalt  }
0x70: {  	_ =	shalt  }
0x71: {  	_ =	shalt  }
0x72: {  	_ =	shalt  }
0x73: {  	_ =	shalt  }
0x74: {  	_ =	shalt  }
0x75: {  	_ =	shalt  }
0x76: {  	_ =	shalt  }
0x77: {  	_ =	shalt  }
0x78: {  	_ =	shalt  }
0x79: {  	_ =	shalt  }
0x7a: {  	_ =	shalt  }
0x7b: {  	_ =	shalt  }
0x7c: {  	_ =	shalt  }
0x7d: {  	_ =	shalt  }
0x7e: {  	_ =	shalt  }
0x7f: {  	_ =	shalt  }
0x80: {  	_ =	shalt  }
0x81: {  	_ =	shalt  }
0x82: {  	_ =	shalt  }
0x83: {  	_ =	shalt  }
0x84: {  	_ =	shalt  }
0x85: {  	_ =	shalt  }
0x86: {  	_ =	shalt  }
0x87: {  	_ =	shalt  }
.Lfunc_end0:
.L_simem_size_0:
called_computation_lowered:
.L_overlay_start_0:
0x88: {  	s2 =	sld [smem:$0x3FD9]  }
0x89: {  	s3 =	sld [smem:$0x3FFE];
	_ =	sdelay $0x1  }
0x8a: {  	s1 =	srdreg.scid  }
0x8b: {  	s0 =	sand.u32 $0x1, s1  }
0x8c: {  	s17 =	sshll.u32 s0, $0xA;
	s2 =	sadd.s32 s3, s2  }
0x8d: {  	s2 =	sadd.s32 s2, s17  }
0x8e: {  	[smem:$0x3FBE] =	sst s2  }
0x8f: {  	_ = 	snop  }
0x90: {  	s2 =	sld [smem:$0x3FC9]  }
0x91: {  	s18 =	sld [smem:$0x3FC8]  }
0x92: {  	s4 =	sld [smem:$0x3FC7]  }
0x93: {  	s5 =	sld [smem:$0x3FC6]  }
0x94: {  	s6 =	sld [smem:$0x3FD0];
	(tm) =	ssettm $0x1  }
0x95: {  	s7 =	sld [smem:$0x3FFB];
	_ =	sdelay $0x3  }
0x96: {  	_ =	strace s7  }
0x97: {  	s7 =	sld [smem:$0x3FFC];
	_ =	sdelay $0x3  }
0x98: {  	_ =	strace s7  }
0x99: {  	s7 =	sld [smem:$0x3FFD];
	_ =	sdelay $0x3  }
0x9a: {  	_ =	strace s7  }
0x9b: {  	_ =	strace $0x8FFFFFFF  }
0x9c: {  	s19 =	sld [smem:$0x3FDB];
	_ =	sdelay $0x1  }
0x9d: {  	s8 =	simm.s32 $_scs_section_size  }
0x9e: {  	s9 =	simm.s32 $_size__tile_overlayer_lowered;
	s10 =	simm.s32 $_tile_overlayer_lowered  }
0x9f: {  	s22 =	simm.s32 $0x1BFF;
	s21 =	sshll.u32 s10, $0x1;
	s7 =	sadd.s32 s8, s19  }
0xa0: {  	s11 =	simm.s32 $0x0;
	s20 =	sshll.u32 s9, $0x1;
	s9 =	sadd.s32 s21, s7  }
0xa1: {  	[timem:s11], [sflag:s22] =	dma.local [hbm:s9], s20  }
0xa2: {  	_ =	swait.ge [sflag:s22], s20  }
0xa3: {  	s8 =	ssub.s32 $0x0, s20;
	[sflag:s22] =	ssyncset.done $0x0  }
0xa4: {  	[sflag:s22] =	ssyncadd.s32 s8;
	_ =	sdelay $0x1  }
0xa5: {  	s23 =	simm.s32 $0x1B8B  }
0xa6: {  	_ =	swait.ge [sflag:s23], $0x1  }
0xa7: {  	[sflag:s23] =	ssyncset.done $0x0  }
0xa8: {  	s25 =	simm.s32 $0x1B8E;
	s24 =	sld [smem:$0x3FFE];
	[sflag:s23] =	ssyncadd.s32 $0xFFFFFFFF  }
0xa9: {  	s26 =	simm.s32 $execute0_lowered;
	[smem:$0x3FD2] =	sst s25  }
0xaa: {  	s9 =	sshll.u32 s26, $0x1;
	_ =	strace $0x80000046;
	[dreg:$0x1] =	wrdreg $0xFFFFFFFF  }
0xab: {  	s28 =	simm.s32 $_size_execute0_lowered;
	s7 =	sadd.s32 s7, s9;
	[dreg:$0x0] =	wrdreg $0x0  }
0xac: {  	s9 =	sshll.u32 s28, $0x1;
	[dreg:$0x2] =	wrdreg s7  }
0xad: {  	[dreg:$0x3] =	wrdreg s9  }
0xae: {  	[dreg:$0x4] =	wrdreg $0xC0  }
0xaf: {  	_ =	task [dreg:s11], $0x5FFFF  }
0xb0: {  	[dreg:$0x1] =	wrdreg $0xFFFFFFFF  }
0xb1: {  	[dreg:$0x0] =	wrdreg $0x60  }
0xb2: {  	[dreg:$0x2] =	wrdreg s2  }
0xb3: {  	[dreg:$0x3] =	wrdreg s18  }
0xb4: {  	[dreg:$0x4] =	wrdreg s4  }
0xb5: {  	[dreg:$0x5] =	wrdreg s5  }
0xb6: {  	[dreg:$0x6] =	wrdreg s6  }
0xb7: {  	[dreg:$0x7] =	wrdreg s24  }
0xb8: {  	[dreg:$0x8] =	wrdreg $0x9  }
0xb9: {  	_ =	task.clear_ibuf [dreg:s11], $0x9FFFF;
	_ =	strace $0x90000046  }
0xba: {  	s29 =	simm.s32 $0x9;
	_ =	strace $0x80000048  }
0xbb: {  	_ =	swait.ge [sflag:s29], $0x1  }
0xbc: {  	[sflag:s29] =	ssyncadd.s32 $0xFFFFFFFF  }
0xbd: {  	_ =	strace $0x90000048  }
0xbe: {  	_ =	sfence  }
0xbf: {  	s30 =	sld [smem:$0x0];
	_ =	sdelay $0x2  }
0xc0: {  	s31 =	sshll.u32 s1, $0xD;
	s1 =	sshrl.u32 s1, $0x2  }
0xc1: {  	s3 =	sand.u32 $0x4000, s31;
	s1 =	sadd.s32 s1, s30  }
0xc2: {  	s0 =	sor.u32 s3, s0;
	s1 =	sshll.u32 s1, $0x11  }
0xc3: {  	s0 =	sor.u32 s1, s0  }
0xc4: {  	s0 =	sadd.s32 $0x8F2B, s0  }
0xc5: {  	[sflag:s0] =	ssyncadd.remote.s32 $0x1  }
0xc6: {  	_ =	sfence.sel $0xFFFF  }
0xc7: {  	[dreg:$0x0] =	wrdreg $0xFFFFFFFF;
	(pc) =	sbr.abs _section_cstart, $3  }
0xc8: {  	[dreg:$0x1] =	wrdreg $0xFFFFFFFF  }
0xc9: {  	_ =	task.clear_ibuf [dreg:s11], $0x2FFFF;
	_ =	strace $0x9FFFFFFF  }
0xca: {  	(tm) =	ssettm $0x7FFFFFFF  }
0xcb: {  	_ =	shalt  }
tec
execute0_lowered:
.L_overlay_start_1:
0x0: {  	(tag) =	ssettag $0x1  }
0x1: {  	s0 =	rddreg [dreg:$0x0]  }
0x2: {  	s4 =	rddreg [dreg:$0x1]  }
0x3: {  	s1 =	rddreg [dreg:$0x2]  }
0x4: {  	s2 =	rddreg [dreg:$0x3]  }
0x5: {  	s5 =	rddreg [dreg:$0x4]  }
0x6: {  	s6 =	rddreg [dreg:$0x5]  }
0x7: {  	s3 =	srdreg.scid;
	s23 =	stileid.u32;
	s11 =	simm.s32 $0x1080  }
0x8: {  	s12 =	simm.s32 $0x1880;
	s13 =	simm.s32 $0x2080;
	s14 =	simm.s32 $0x2880  }
0x9: {  	s15 =	simm.s32 $0x3080;
	s16 =	simm.s32 $0x3880;
	s17 =	simm.s32 $0x4080  }
0xa: {  	s18 =	simm.s32 $0x4880;
	s19 =	simm.s32 $0x5080;
	s20 =	simm.s32 $0x5880  }
0xb: {  	s21 =	simm.s32 $0x6080;
	s22 =	simm.s32 $0x6880;
	s28 =	simm.s32 $0x3  }
0xc: {  	s29 =	simm.s32 $0x2;
	s30 =	simm.s32 $0x4;
	s31 =	simm.s32 $0x6  }
0xd: {  	[dreg:$0x7] =	wrdreg s2;
	s7 =	sand.u32 $0x1, s3;
	s3 =	simm.s32 $0x0  }
0xe: {  	s8 =	sshll.u32 s23, $0x8;
	s23 =	simm.s32 $0x7080;
	s9 =	sshll.u32 s7, $0x7  }
0xf: {  	[smem:$0x7FF] =	sst s3;
	s7 =	ssub.s32 $0x2, s7;
	s8 =	sor.u32 s9, s8  }
0x10: {  	_ =	strace $0x80000047;
	s24 =	sshrl.u32 s7, $0x1;
	s9 =	sshll.u32 s8, $0x4  }
0x11: {  	s10 =	sshrl.u32 s8, $0x3;
	s26 =	sshll.u32 s8, $0x5;
	s7 =	ssub.s32 s7, s24  }
0x12: {  	s8 =	simm.s32 $0x8080;
	s24 =	simm.s32 $0x7880;
	s6 =	sadd.s32 s9, s6  }
0x13: {  	s0 =	sadd.s32 s0, s10;
	s25 =	sadd.s32 s4, s10;
	s4 =	sadd.s32 s5, s26  }
0x14: {  	s9 =	simm.s32 $0x80;
	s10 =	simm.s32 $0x880;
	[dreg:$0x8] =	wrdreg s0  }
0x15: {  	v2 =	vlaneseq.u32;
	s26 =	simm.s32 $0x1;
	[dreg:$0x9] =	wrdreg s25;
	s6 =	sadd.s32 $0x1800, s6  }
0x16: {  	vm0 =	vmmov $0xffff;
	v1 =	vshrl.u32 v2, $0x3;
	s5 =	sadd.s32 $0x800, s4;
	s25 =	simm.s32 $0x8100;
	s0 =	simm.s32 $0x5  }
0x17: {  	v0 =	vand.u32 $0x7, v2;
	v2 =	vor.u32 $0x8, v2;
	v1 =	vmul.u32 $0x8, v1;
	[dreg:$0xa] =	wrdreg s6;
	s6 =	smax.u32 s7, $0x1;
	s7 =	simm.s32 $0x7  }
.LBB2_1:
0x18: {  	s2 =	rddreg [dreg:$0x8]  }
0x19: {  	[tilespmem:s3], [sflag:$0x7] =	stream.linear.gather [hbm4b:s2+s3], $0x80, $0x38;
	[tilespmem:$0xC100] =	vst v63  }
0x1a: {  	_ =	swait.ge [sflag:s7], $0x80  }
0x1b: {  	[sflag:s7] =	ssyncset.done $0x0  }
0x1c: {  	s2 =	rddreg [dreg:$0x9];
	[sflag:s7] =	ssyncadd.s32 $0xFFFFFF80  }
0x1d: {  	[tilespmem:s8], [sflag:$0x7] =	stream.linear.gather [hbm4b:s2+s3], $0x80, $0x38;
	[tilespmem:$0xC100] =	vst v63  }
0x1e: {  	_ =	swait.ge [sflag:s7], $0x80  }
0x1f: {  	[sflag:s7] =	ssyncset.done $0x0  }
0x20: {  	[sflag:s7] =	ssyncadd.s32 $0xFFFFFF80  }
0x21: {  	v3 =	vld [tilespmem:$0x0];
	_ =	sdelay $0x4  }
0x22: {  	v4 =	vshll.u32 v3, $0x1  }
0x23: {  	v3 =	vand.u32 $0x7, v3;
	v4 =	vand.u32 $0xFFFFFFF0, v4  }
0x24: {  	v3 =	vor.u32 v3, v4  }
0x25: {  	v4 =	vperm.xlane v3, v0;
	_ =	sdelay $0x1  }
0x26: {  	v3 =	vperm.xlane v3, v2;
	v4 =	vadd.s32 v1, v4;
	_ =	sdelay $0x1  }
0x27: {  	v3 =	vadd.s32 v1, v3;
	_ =	sdelay $0x2  }
0x28: {  	[tilespmem:s9], [sflag:$0x1] =	stream.indirect_vreg.gather [hbm4b:s1+s3], $0x80, v4, vm0, $0xb8;
	[tilespmem:$0xC100] =	vst v63  }
0x29: {  	_ = 	snop  }
0x2a: {  	[tilespmem:s10], [sflag:$0x1] =	stream.indirect_vreg.gather [hbm4b:s1+s3], $0x80, v3, vm0, $0xb8;
	[tilespmem:$0xC100] =	vst v63  }
0x2b: {  	v3 =	vld [tilespmem:$0x10];
	_ =	sdelay $0x4  }
0x2c: {  	v57 =	vshll.u32 v3, $0x1  }
0x2d: {  	v3 =	vand.u32 $0x7, v3;
	v4 =	vand.u32 $0xFFFFFFF0, v57  }
0x2e: {  	v3 =	vor.u32 v3, v4  }
0x2f: {  	v4 =	vperm.xlane v3, v0;
	_ =	sdelay $0x1  }
0x30: {  	v3 =	vperm.xlane v3, v2;
	v4 =	vadd.s32 v1, v4;
	_ =	sdelay $0x1  }
0x31: {  	v3 =	vadd.s32 v1, v3;
	_ =	sdelay $0x2  }
0x32: {  	[tilespmem:s11], [sflag:$0x1] =	stream.indirect_vreg.gather [hbm4b:s1+s3], $0x80, v4, vm0, $0xb8;
	[tilespmem:$0xC100] =	vst v63  }
0x33: {  	_ = 	snop  }
0x34: {  	[tilespmem:s12], [sflag:$0x1] =	stream.indirect_vreg.gather [hbm4b:s1+s3], $0x80, v3, vm0, $0xb8;
	[tilespmem:$0xC100] =	vst v63  }
0x35: {  	v3 =	vld [tilespmem:$0x20];
	_ =	sdelay $0x4  }
0x36: {  	v58 =	vshll.u32 v3, $0x1  }
0x37: {  	v3 =	vand.u32 $0x7, v3;
	v4 =	vand.u32 $0xFFFFFFF0, v58  }
0x38: {  	v3 =	vor.u32 v3, v4  }
0x39: {  	v4 =	vperm.xlane v3, v0;
	_ =	sdelay $0x1  }
0x3a: {  	v3 =	vperm.xlane v3, v2;
	v4 =	vadd.s32 v1, v4;
	_ =	sdelay $0x1  }
0x3b: {  	v3 =	vadd.s32 v1, v3;
	_ =	sdelay $0x2  }
0x3c: {  	[tilespmem:s13], [sflag:$0x1] =	stream.indirect_vreg.gather [hbm4b:s1+s3], $0x80, v4, vm0, $0xb8;
	[tilespmem:$0xC100] =	vst v63  }
0x3d: {  	_ = 	snop  }
0x3e: {  	[tilespmem:s14], [sflag:$0x1] =	stream.indirect_vreg.gather [hbm4b:s1+s3], $0x80, v3, vm0, $0xb8;
	[tilespmem:$0xC100] =	vst v63  }
0x3f: {  	v3 =	vld [tilespmem:$0x30];
	_ =	sdelay $0x4  }
0x40: {  	v59 =	vshll.u32 v3, $0x1  }
0x41: {  	v3 =	vand.u32 $0x7, v3;
	v4 =	vand.u32 $0xFFFFFFF0, v59  }
0x42: {  	v3 =	vor.u32 v3, v4  }
0x43: {  	v4 =	vperm.xlane v3, v0;
	_ =	sdelay $0x1  }
0x44: {  	v3 =	vperm.xlane v3, v2;
	v4 =	vadd.s32 v1, v4;
	_ =	sdelay $0x1  }
0x45: {  	v3 =	vadd.s32 v1, v3;
	_ =	sdelay $0x2  }
0x46: {  	[tilespmem:s15], [sflag:$0x1] =	stream.indirect_vreg.gather [hbm4b:s1+s3], $0x80, v4, vm0, $0xb8;
	[tilespmem:$0xC100] =	vst v63  }
0x47: {  	_ = 	snop  }
0x48: {  	[tilespmem:s16], [sflag:$0x1] =	stream.indirect_vreg.gather [hbm4b:s1+s3], $0x80, v3, vm0, $0xb8;
	[tilespmem:$0xC100] =	vst v63  }
0x49: {  	v3 =	vld [tilespmem:$0x40];
	_ =	sdelay $0x4  }
0x4a: {  	v60 =	vshll.u32 v3, $0x1  }
0x4b: {  	v3 =	vand.u32 $0x7, v3;
	v4 =	vand.u32 $0xFFFFFFF0, v60  }
0x4c: {  	v3 =	vor.u32 v3, v4  }
0x4d: {  	v4 =	vperm.xlane v3, v0;
	_ =	sdelay $0x1  }
0x4e: {  	v3 =	vperm.xlane v3, v2;
	v4 =	vadd.s32 v1, v4;
	_ =	sdelay $0x1  }
0x4f: {  	v3 =	vadd.s32 v1, v3;
	_ =	sdelay $0x2  }
0x50: {  	[tilespmem:s17], [sflag:$0x2] =	stream.indirect_vreg.gather [hbm4b:s1+s3], $0x80, v4, vm0, $0xb8;
	[tilespmem:$0xC100] =	vst v63  }
0x51: {  	_ = 	snop  }
0x52: {  	[tilespmem:s18], [sflag:$0x2] =	stream.indirect_vreg.gather [hbm4b:s1+s3], $0x80, v3, vm0, $0xb8;
	[tilespmem:$0xC100] =	vst v63  }
0x53: {  	v3 =	vld [tilespmem:$0x50];
	_ =	sdelay $0x4  }
0x54: {  	v61 =	vshll.u32 v3, $0x1  }
0x55: {  	v3 =	vand.u32 $0x7, v3;
	v4 =	vand.u32 $0xFFFFFFF0, v61  }
0x56: {  	v3 =	vor.u32 v3, v4  }
0x57: {  	v4 =	vperm.xlane v3, v0;
	_ =	sdelay $0x1  }
0x58: {  	v3 =	vperm.xlane v3, v2;
	v4 =	vadd.s32 v1, v4;
	_ =	sdelay $0x1  }
0x59: {  	v3 =	vadd.s32 v1, v3;
	_ =	sdelay $0x2  }
0x5a: {  	[tilespmem:s19], [sflag:$0x2] =	stream.indirect_vreg.gather [hbm4b:s1+s3], $0x80, v4, vm0, $0xb8;
	[tilespmem:$0xC100] =	vst v63  }
0x5b: {  	_ = 	snop  }
0x5c: {  	[tilespmem:s20], [sflag:$0x2] =	stream.indirect_vreg.gather [hbm4b:s1+s3], $0x80, v3, vm0, $0xb8;
	[tilespmem:$0xC100] =	vst v63  }
0x5d: {  	v3 =	vld [tilespmem:$0x60];
	_ =	sdelay $0x4  }
0x5e: {  	v62 =	vshll.u32 v3, $0x1  }
0x5f: {  	v3 =	vand.u32 $0x7, v3;
	v4 =	vand.u32 $0xFFFFFFF0, v62  }
0x60: {  	v3 =	vor.u32 v3, v4  }
0x61: {  	v4 =	vperm.xlane v3, v0;
	_ =	sdelay $0x1  }
0x62: {  	v3 =	vperm.xlane v3, v2;
	v4 =	vadd.s32 v1, v4;
	_ =	sdelay $0x1  }
0x63: {  	v3 =	vadd.s32 v1, v3;
	_ =	sdelay $0x2  }
0x64: {  	[tilespmem:s21], [sflag:$0x2] =	stream.indirect_vreg.gather [hbm4b:s1+s3], $0x80, v4, vm0, $0xb8;
	[tilespmem:$0xC100] =	vst v63  }
0x65: {  	_ = 	snop  }
0x66: {  	[tilespmem:s22], [sflag:$0x2] =	stream.indirect_vreg.gather [hbm4b:s1+s3], $0x80, v3, vm0, $0xb8;
	[tilespmem:$0xC100] =	vst v63  }
0x67: {  	v3 =	vld [tilespmem:$0x70];
	_ =	sdelay $0x4  }
0x68: {  	v63 =	vshll.u32 v3, $0x1  }
0x69: {  	v3 =	vand.u32 $0x7, v3;
	v4 =	vand.u32 $0xFFFFFFF0, v63  }
0x6a: {  	v3 =	vor.u32 v3, v4  }
0x6b: {  	v4 =	vperm.xlane v3, v0;
	_ =	sdelay $0x1  }
0x6c: {  	v3 =	vperm.xlane v3, v2;
	v4 =	vadd.s32 v1, v4;
	_ =	sdelay $0x1  }
0x6d: {  	v3 =	vadd.s32 v1, v3;
	_ =	sdelay $0x2  }
0x6e: {  	[tilespmem:s23], [sflag:$0x2] =	stream.indirect_vreg.gather [hbm4b:s1+s3], $0x80, v4, vm0, $0xb8;
	[tilespmem:$0xC100] =	vst v63  }
0x6f: {  	_ = 	snop  }
0x70: {  	[tilespmem:s24], [sflag:$0x2] =	stream.indirect_vreg.gather [hbm4b:s1+s3], $0x80, v3, vm0, $0xb8;
	[tilespmem:$0xC100] =	vst v63  }
0x71: {  	s2 =	rddreg [dreg:$0x7]  }
0x72: {  	[tilespmem:s25], [sflag:$0x3] =	stream.indirect.gather [hbm4b:s2+s9], $0x80, s8, s9, $0xb8;
	[tilespmem:$0xC100] =	vst v63  }
0x73: {  	_ =	swait.ge [sflag:s26], $0x4000  }
0x74: {  	[sflag:s26] =	ssyncset.done $0x0  }
0x75: {  	[sflag:s26] =	ssyncadd.s32 $0xFFFFC000  }
0x76: {  	[hbm4b:s4+s3] =	stream.linear.scatter [tilespmem:s9], [sflag:$0x4], $0x4000, $0x38;
	[tilespmem:$0xC100] =	vst v63  }
0x77: {  	_ =	swait.ge [sflag:s28], $0x4000  }
0x78: {  	[sflag:s28] =	ssyncset.done $0x0  }
0x79: {  	s2 =	rddreg [dreg:$0xa];
	[sflag:s28] =	ssyncadd.s32 $0xFFFFC000  }
0x7a: {  	[hbm4b:s2+s3] =	stream.linear.scatter [tilespmem:s25], [sflag:$0x6], $0x4000, $0x38;
	[tilespmem:$0xC100] =	vst v63  }
0x7b: {  	_ =	swait.ge [sflag:s29], $0x4000  }
0x7c: {  	[sflag:s29] =	ssyncset.done $0x0  }
0x7d: {  	[sflag:s29] =	ssyncadd.s32 $0xFFFFC000  }
0x7e: {  	[hbm4b:s5+s3] =	stream.linear.scatter [tilespmem:s17], [sflag:$0x5], $0x4000, $0x38;
	[tilespmem:$0xC100] =	vst v63  }
0x7f: {  	_ =	swait.ge [sflag:s30], $0x4000  }
0x80: {  	[sflag:s30] =	ssyncset.done $0x0  }
0x81: {  	[sflag:s30] =	ssyncadd.s32 $0xFFFFC000  }
0x82: {  	p0 =	sne.s32 s6, $0x1;
	_ =	swait.ge [sflag:s31], $0x4000  }
.Ltmp0:
0x83: {  	[sflag:s31] =	ssyncset.done $0x0;
	(pc) =	sbr.rel @p0 .LBB2_1-.Ltmp0, $4  }
0x84: {  	[sflag:s31] =	ssyncadd.s32 $0xFFFFC000  }
0x85: {  	_ =	swait.ge [sflag:s0], $0x4000  }
0x86: {  	[sflag:s0] =	ssyncset.done $0x0  }
0x87: {  	s6 =	sadd.s32 $0xFFFFFFFF, s6;
	[sflag:s0] =	ssyncadd.s32 $0xFFFFC000  }
0x88: {  	_ =	sfence.sel $0x180000  }
0x89: {  	[bflag:$0x0] =	sbarrier.arrive $0xFFFF  }
0x8a: {  	_ =	strace $0x90000047  }
0x8b: {  	s0 =	stileid.u32;
	[bflag:$0x2] =	sbarrier.arrive $0xFFFF  }
0x8c: {  	p0 =	sne.s32 s0, $0x0;
	s0 =	rddreg [dreg:$0x6]  }
0x8d: {  	s0 =	sadd.s32 @!p0 $0x100000, s0  }
0x8e: {  	[sflag:s0] =	ssyncadd.tile.s32 @!p0 $0x1;
	_ =	shalt  }
.Lfunc_end2:
_tile_overlayer_lowered:
.L_overlay_start_2:
0x8f: {  	(tag) =	ssettag $0x2  }
0x90: {  	s0 =	rddreg [dreg:$0x0];
	s2 =	stileid.u32  }
0x91: {  	s1 =	rddreg [dreg:$0x1];
	p0 =	sne.s32 s2, $0x0  }
0x92: {  	s3 =	rddreg [dreg:$0x2];
	[bflag:$0x3] =	sbarrier.arrive $0xFFFF;
	s2 =	simm.s32 @!p0 $0x1C07  }
0x93: {  	[timem:s3], [sflag:s2] =	dma.local @!p0 [hbm:s0], s1  }
0x94: {  	s0 =	simm.s32 @!p0 $0x7  }
0x95: {  	_ =	swait.ge @!p0 [sflag:s0], s1  }
0x96: {  	s1 =	ssub.s32 @!p0 $0x0, s1;
	[sflag:s0] =	ssyncset.done @!p0 $0x0  }
0x97: {  	[sflag:s0] =	ssyncadd.s32 @!p0 s1  }
0x98: {  	[bflag:$0x3] =	sbarrier.arrive $0xFFFF  }
0x99: {  	_ =	shalt  }

</sc_bundles>
